<compile_context>
chip_gen: v7x
topology: tpu7x:2x2x1
jax: 0.10.2.dev20260603
libtpu: 0.0.44.dev20260713+nightly
codegen_flags: <defaults>
</compile_context>

<pallas_src>
import functools

import jax
import jax.numpy as jnp
from jax import lax
from jax.experimental import pallas as pl
from jax.experimental.pallas import tpu as pltpu
from jax.experimental.pallas import tpu_sc as plsc

D_MODEL = 1024
SUB = 8
LANES = 128
SEQ = 4096
NUM_CORES = 2
NUM_SUBCORES = 16
NUM_WORKERS = NUM_CORES * NUM_SUBCORES
CHUNK = 32


def _make_sc_gather(n_rows):
    rpw = n_rows // NUM_WORKERS
    n_chunks = rpw // CHUNK
    assert n_chunks % 2 == 0 and n_chunks >= 2

    @functools.partial(
        pl.kernel,
        out_type=jax.ShapeDtypeStruct((n_rows, SUB, LANES), jnp.float32),
        mesh=plsc.VectorSubcoreMesh(core_axis_name="c", subcore_axis_name="s"),
        scratch_types=[
            pltpu.VMEM((rpw,), jnp.int32),
            pltpu.VMEM((CHUNK, SUB, LANES), jnp.float32),
            pltpu.VMEM((CHUNK, SUB, LANES), jnp.float32),
            pltpu.SemaphoreType.DMA,
            pltpu.SemaphoreType.DMA,
            pltpu.SemaphoreType.DMA,
            pltpu.SemaphoreType.DMA,
        ],
    )
    def _sc_gather(pe_hbm, idx_hbm, out_hbm, idx_v, buf0, buf1, sg0, sg1, sw0, sw1):
        wid = lax.axis_index("s") * NUM_CORES + lax.axis_index("c")
        base = wid * rpw
        pltpu.sync_copy(idx_hbm.at[pl.ds(base, rpw)], idx_v)
        bufs, sgs, sws = (buf0, buf1), (sg0, sg1), (sw0, sw1)
        gathers = [None, None]
        writes = [None, None]
        for c in range(n_chunks):
            p = c & 1
            if writes[p] is not None:
                writes[p].wait()
            gathers[p] = pltpu.async_copy(
                pe_hbm.at[idx_v.at[pl.ds(c * CHUNK, CHUNK)]], bufs[p], sgs[p])
            if p == 1:
                for cc in (c - 1, c):
                    pp = cc & 1
                    gathers[pp].wait()
                    writes[pp] = pltpu.async_copy(
                        bufs[pp], out_hbm.at[pl.ds(base + cc * CHUNK, CHUNK)], sws[pp])
        writes[0].wait()
        writes[1].wait()

    return _sc_gather


_sc_gather_full = _make_sc_gather(SEQ)

BS = 256


def _tc_add_body(x_ref, g_ref, o_ref):
    for j in range(SUB):
        sl = slice(j * LANES, (j + 1) * LANES)
        o_ref[:, :, sl] = x_ref[:, :, sl] + g_ref[:, j, :][None]


def kernel(x, time_indices, pe):
    idx = time_indices.astype(jnp.int32)
    pe3 = pe.reshape(pe.shape[0], SUB, LANES)
    g = _sc_gather_full(pe3, idx)
    b, s, d = x.shape
    return pl.pallas_call(
        _tc_add_body,
        grid=(s // BS,),
        in_specs=[
            pl.BlockSpec((b, BS, d), lambda i: (0, i, 0)),
            pl.BlockSpec((BS, SUB, LANES), lambda i: (i, 0, 0)),
        ],
        out_specs=pl.BlockSpec((b, BS, d), lambda i: (0, i, 0)),
        out_shape=jax.ShapeDtypeStruct((b, s, d), x.dtype),
    )(x, g)

# --- scband reference (transcript-rebuilt; emitter-appended) ---
"""Pipeline reference for scband-seasonal-positional-encoding-16114717294628 (READ-ONLY COPY).

The authoritative reference and input builder live on the scoring server;
editing this copy changes nothing except your own understanding.
"""

import math
import jax, jax.numpy as jnp
import numpy as np

D_MODEL = 1024
MAX_LEN = 8192
PERIODS = [7, 30, 365]


def build_pe(d_model=D_MODEL, max_len=MAX_LEN, periods=PERIODS):
    pe = np.zeros((max_len, d_model), dtype=np.float32)
    position = np.arange(0, max_len, dtype=np.float32)[:, None]
    dims_per_encoding = d_model // (len(periods) + 1)
    div_term = np.exp(np.arange(0, dims_per_encoding, 2, dtype=np.float32) * (-math.log(10000.0) / dims_per_encoding))
    pe[:, 0:dims_per_encoding:2] = np.sin(position * div_term)
    pe[:, 1:dims_per_encoding:2] = np.cos(position * div_term)
    start_dim = dims_per_encoding
    for i, period in enumerate(periods):
        end_dim = start_dim + dims_per_encoding
        seasonal_pos = (position % period) / period * 2.0 * math.pi
        for j in range(0, min(dims_per_encoding, end_dim - start_dim), 2):
            pe[:, start_dim + j] = np.sin(seasonal_pos * (j // 2 + 1)).squeeze()
            if start_dim + j + 1 < d_model:
                pe[:, start_dim + j + 1] = np.cos(seasonal_pos * (j // 2 + 1)).squeeze()
        start_dim = end_dim
    # unsqueeze(0).transpose(0,1) -> [max_len, 1, d_model]
    return jnp.asarray(pe[:, None, :])


def setup_inputs(seed: int = 0) -> dict:
    key = jax.random.key(seed)
    k1, k2 = jax.random.split(key)
    x = jax.random.normal(k1, (4, 4096, 1024), dtype=jnp.float32)
    time_indices = jax.random.randint(k2, (4096,), 0, MAX_LEN, dtype=jnp.int64 if jax.config.jax_enable_x64 else jnp.int32)
    pe = build_pe()
    return {"x": x, "time_indices": time_indices, "pe": pe}


def reference(x, time_indices, pe):
    # time_indices is not None branch
    time_pe = pe[time_indices]               # [S, 1, d_model] gather
    return x + jnp.swapaxes(time_pe, 0, 1)   # [1, S, d_model] broadcast add -> [B, S, d_model]

if __name__ == "__main__":
    import jax
    _d = setup_inputs()
    print(jax.jit(kernel)(*tuple(_d.values())))

</pallas_src>

<mosaic_0001>
#map = affine_map<(d0, d1) -> (0, 0, 0)>
#map1 = affine_map<(d0, d1) -> (0)>
module attributes {stable_mosaic.version = 14 : i64} {
  func.func @_sc_gather(%arg0: i32, %arg1: i32, %arg2: memref<8192x8x128xf32, #tpu.memory_space<hbm>>, %arg3: memref<4096xi32, #tpu.memory_space<hbm>>, %arg4: memref<4096x8x128xf32, #tpu.memory_space<hbm>>, %arg5: memref<128xi32, #tpu.memory_space<vmem>>, %arg6: memref<32x8x128xf32, #tpu.memory_space<vmem>>, %arg7: memref<32x8x128xf32, #tpu.memory_space<vmem>>, %arg8: memref<!tpu.dma_semaphore, #tpu.memory_space<semaphore_mem>>, %arg9: memref<!tpu.dma_semaphore, #tpu.memory_space<semaphore_mem>>, %arg10: memref<!tpu.dma_semaphore, #tpu.memory_space<semaphore_mem>>, %arg11: memref<!tpu.dma_semaphore, #tpu.memory_space<semaphore_mem>>) attributes {dimension_semantics = [#tpu.dimension_semantics<core_parallel>, #tpu.dimension_semantics<subcore_parallel>], iteration_bounds = array<i64: 2, 16>, scalar_prefetch = 0 : i64, scratch_operands = 7 : i64, tpu.core_type = #tpu.core_type<sc_vector_subcore>, window_params = [{transform_indices = #map}, {transform_indices = #map1}, {transform_indices = #map}]} {
    %mul3A = arith.constant 2 : i32
    %mul3A_0 = arith.muli %arg1, %mul3A : i32
    %add3A = arith.addi %mul3A_0, %arg0 : i32
    %mul3A_1 = arith.constant 128 : i32
    %mul3A_2 = arith.muli %add3A, %mul3A_1 : i32
    "tpu.region"() ({
      %run_scoped3A = tpu.sem_alloc : memref<!tpu.dma_semaphore, #tpu.memory_space<semaphore_mem>>
      %dma_start3A_105 = tpu.memref_slice %arg3[%mul3A_2] : memref<4096xi32, #tpu.memory_space<hbm>> -> memref<128xi32, #tpu.memory_space<hbm>>
      %dma_start3A_106 = tpu.memref_slice %arg3[%mul3A_2] : memref<4096xi32, #tpu.memory_space<hbm>> -> memref<128xi32, #tpu.memory_space<hbm>>
      tpu.enqueue_dma source(%dma_start3A_106 : memref<128xi32, #tpu.memory_space<hbm>>) target(%arg5 : memref<128xi32, #tpu.memory_space<vmem>>) target_semaphore(%run_scoped3A : memref<!tpu.dma_semaphore, #tpu.memory_space<semaphore_mem>>)
      %dma_wait3A_107 = tpu.memref_slice %arg3[%mul3A_2] : memref<4096xi32, #tpu.memory_space<hbm>> -> memref<128xi32, #tpu.memory_space<hbm>>
      %dma_wait3A_108 = tpu.memref_slice %arg3[%mul3A_2] : memref<4096xi32, #tpu.memory_space<hbm>> -> memref<128xi32, #tpu.memory_space<hbm>>
      tpu.wait_dma2 semaphore(%run_scoped3A : memref<!tpu.dma_semaphore, #tpu.memory_space<semaphore_mem>>) src(%dma_wait3A_108 : memref<128xi32, #tpu.memory_space<hbm>>) dst(%arg5 : memref<128xi32, #tpu.memory_space<vmem>>)
      tpu.yield
    }) : () -> ()
    %dma_start3A = arith.constant 0 : i32
    %dma_start3A_3 = tpu.memref_slice %arg5[%dma_start3A] : memref<128xi32, #tpu.memory_space<vmem>> -> memref<32xi32, #tpu.memory_space<vmem>>
    %dma_start3A_4 = arith.constant 0 : i32
    %dma_start3A_5 = arith.constant 0 : i32
    %dma_start3A_6 = arith.constant 0 : i32
    %dma_start3A_7 = tpu.memref_slice %arg2[%dma_start3A_4, %dma_start3A_5, %dma_start3A_6] : memref<8192x8x128xf32, #tpu.memory_space<hbm>> -> memref<8192x8x128xf32, #tpu.memory_space<hbm>>
    tpu.enqueue_indirect_dma source(%dma_start3A_7 : memref<8192x8x128xf32, #tpu.memory_space<hbm>>) target(%arg6 : memref<32x8x128xf32, #tpu.memory_space<vmem>>) offsets(%dma_start3A_3 : memref<32xi32, #tpu.memory_space<vmem>>) semaphore(%arg8 : memref<!tpu.dma_semaphore, #tpu.memory_space<semaphore_mem>>)
    %dma_start3A_8 = arith.constant 32 : i32
    %dma_start3A_9 = tpu.memref_slice %arg5[%dma_start3A_8] : memref<128xi32, #tpu.memory_space<vmem>> -> memref<32xi32, #tpu.memory_space<vmem>>
    %dma_start3A_10 = arith.constant 0 : i32
    %dma_start3A_11 = arith.constant 0 : i32
    %dma_start3A_12 = arith.constant 0 : i32
    %dma_start3A_13 = tpu.memref_slice %arg2[%dma_start3A_10, %dma_start3A_11, %dma_start3A_12] : memref<8192x8x128xf32, #tpu.memory_space<hbm>> -> memref<8192x8x128xf32, #tpu.memory_space<hbm>>
    tpu.enqueue_indirect_dma source(%dma_start3A_13 : memref<8192x8x128xf32, #tpu.memory_space<hbm>>) target(%arg7 : memref<32x8x128xf32, #tpu.memory_space<vmem>>) offsets(%dma_start3A_9 : memref<32xi32, #tpu.memory_space<vmem>>) semaphore(%arg9 : memref<!tpu.dma_semaphore, #tpu.memory_space<semaphore_mem>>)
    %dma_wait3A = arith.constant 0 : i32
    %dma_wait3A_14 = tpu.memref_slice %arg5[%dma_wait3A] : memref<128xi32, #tpu.memory_space<vmem>> -> memref<32xi32, #tpu.memory_space<vmem>>
    %dma_wait3A_15 = arith.constant 0 : i32
    %dma_wait3A_16 = arith.constant 0 : i32
    %dma_wait3A_17 = arith.constant 0 : i32
    %dma_wait3A_18 = tpu.memref_slice %arg2[%dma_wait3A_15, %dma_wait3A_16, %dma_wait3A_17] : memref<8192x8x128xf32, #tpu.memory_space<hbm>> -> memref<8192x8x128xf32, #tpu.memory_space<hbm>>
    tpu.wait_indirect_dma semaphore(%arg8 : memref<!tpu.dma_semaphore, #tpu.memory_space<semaphore_mem>>) src(%dma_wait3A_18 : memref<8192x8x128xf32, #tpu.memory_space<hbm>>) dst(%arg6 : memref<32x8x128xf32, #tpu.memory_space<vmem>>)
    %add3A_19 = arith.constant 0 : i32
    %add3A_20 = arith.addi %mul3A_2, %add3A_19 : i32
    %dma_start3A_21 = arith.constant 0 : i32
    %dma_start3A_22 = arith.constant 0 : i32
    %dma_start3A_23 = tpu.memref_slice %arg4[%add3A_20, %dma_start3A_21, %dma_start3A_22] : memref<4096x8x128xf32, #tpu.memory_space<hbm>> -> memref<32x8x128xf32, #tpu.memory_space<hbm>>
    %dma_start3A_24 = arith.constant 0 : i32
    %dma_start3A_25 = arith.constant 0 : i32
    %dma_start3A_26 = tpu.memref_slice %arg4[%add3A_20, %dma_start3A_24, %dma_start3A_25] : memref<4096x8x128xf32, #tpu.memory_space<hbm>> -> memref<32x8x128xf32, #tpu.memory_space<hbm>>
    tpu.enqueue_dma source(%arg6 : memref<32x8x128xf32, #tpu.memory_space<vmem>>) target(%dma_start3A_26 : memref<32x8x128xf32, #tpu.memory_space<hbm>>) target_semaphore(%arg10 : memref<!tpu.dma_semaphore, #tpu.memory_space<semaphore_mem>>)
    %dma_wait3A_27 = arith.constant 32 : i32
    %dma_wait3A_28 = tpu.memref_slice %arg5[%dma_wait3A_27] : memref<128xi32, #tpu.memory_space<vmem>> -> memref<32xi32, #tpu.memory_space<vmem>>
    %dma_wait3A_29 = arith.constant 0 : i32
    %dma_wait3A_30 = arith.constant 0 : i32
    %dma_wait3A_31 = arith.constant 0 : i32
    %dma_wait3A_32 = tpu.memref_slice %arg2[%dma_wait3A_29, %dma_wait3A_30, %dma_wait3A_31] : memref<8192x8x128xf32, #tpu.memory_space<hbm>> -> memref<8192x8x128xf32, #tpu.memory_space<hbm>>
    tpu.wait_indirect_dma semaphore(%arg9 : memref<!tpu.dma_semaphore, #tpu.memory_space<semaphore_mem>>) src(%dma_wait3A_32 : memref<8192x8x128xf32, #tpu.memory_space<hbm>>) dst(%arg7 : memref<32x8x128xf32, #tpu.memory_space<vmem>>)
    %add3A_33 = arith.constant 32 : i32
    %add3A_34 = arith.addi %mul3A_2, %add3A_33 : i32
    %dma_start3A_35 = arith.constant 0 : i32
    %dma_start3A_36 = arith.constant 0 : i32
    %dma_start3A_37 = tpu.memref_slice %arg4[%add3A_34, %dma_start3A_35, %dma_start3A_36] : memref<4096x8x128xf32, #tpu.memory_space<hbm>> -> memref<32x8x128xf32, #tpu.memory_space<hbm>>
    %dma_start3A_38 = arith.constant 0 : i32
    %dma_start3A_39 = arith.constant 0 : i32
    %dma_start3A_40 = tpu.memref_slice %arg4[%add3A_34, %dma_start3A_38, %dma_start3A_39] : memref<4096x8x128xf32, #tpu.memory_space<hbm>> -> memref<32x8x128xf32, #tpu.memory_space<hbm>>
    tpu.enqueue_dma source(%arg7 : memref<32x8x128xf32, #tpu.memory_space<vmem>>) target(%dma_start3A_40 : memref<32x8x128xf32, #tpu.memory_space<hbm>>) target_semaphore(%arg11 : memref<!tpu.dma_semaphore, #tpu.memory_space<semaphore_mem>>)
    %dma_wait3A_41 = arith.constant 0 : i32
    %dma_wait3A_42 = arith.constant 0 : i32
    %dma_wait3A_43 = tpu.memref_slice %arg4[%add3A_20, %dma_wait3A_41, %dma_wait3A_42] : memref<4096x8x128xf32, #tpu.memory_space<hbm>> -> memref<32x8x128xf32, #tpu.memory_space<hbm>>
    %dma_wait3A_44 = arith.constant 0 : i32
    %dma_wait3A_45 = arith.constant 0 : i32
    %dma_wait3A_46 = tpu.memref_slice %arg4[%add3A_20, %dma_wait3A_44, %dma_wait3A_45] : memref<4096x8x128xf32, #tpu.memory_space<hbm>> -> memref<32x8x128xf32, #tpu.memory_space<hbm>>
    tpu.wait_dma2 semaphore(%arg10 : memref<!tpu.dma_semaphore, #tpu.memory_space<semaphore_mem>>) src(%arg6 : memref<32x8x128xf32, #tpu.memory_space<vmem>>) dst(%dma_wait3A_46 : memref<32x8x128xf32, #tpu.memory_space<hbm>>)
    %dma_start3A_47 = arith.constant 64 : i32
    %dma_start3A_48 = tpu.memref_slice %arg5[%dma_start3A_47] : memref<128xi32, #tpu.memory_space<vmem>> -> memref<32xi32, #tpu.memory_space<vmem>>
    %dma_start3A_49 = arith.constant 0 : i32
    %dma_start3A_50 = arith.constant 0 : i32
    %dma_start3A_51 = arith.constant 0 : i32
    %dma_start3A_52 = tpu.memref_slice %arg2[%dma_start3A_49, %dma_start3A_50, %dma_start3A_51] : memref<8192x8x128xf32, #tpu.memory_space<hbm>> -> memref<8192x8x128xf32, #tpu.memory_space<hbm>>
    tpu.enqueue_indirect_dma source(%dma_start3A_52 : memref<8192x8x128xf32, #tpu.memory_space<hbm>>) target(%arg6 : memref<32x8x128xf32, #tpu.memory_space<vmem>>) offsets(%dma_start3A_48 : memref<32xi32, #tpu.memory_space<vmem>>) semaphore(%arg8 : memref<!tpu.dma_semaphore, #tpu.memory_space<semaphore_mem>>)
    %dma_wait3A_53 = arith.constant 0 : i32
    %dma_wait3A_54 = arith.constant 0 : i32
    %dma_wait3A_55 = tpu.memref_slice %arg4[%add3A_34, %dma_wait3A_53, %dma_wait3A_54] : memref<4096x8x128xf32, #tpu.memory_space<hbm>> -> memref<32x8x128xf32, #tpu.memory_space<hbm>>
    %dma_wait3A_56 = arith.constant 0 : i32
    %dma_wait3A_57 = arith.constant 0 : i32
    %dma_wait3A_58 = tpu.memref_slice %arg4[%add3A_34, %dma_wait3A_56, %dma_wait3A_57] : memref<4096x8x128xf32, #tpu.memory_space<hbm>> -> memref<32x8x128xf32, #tpu.memory_space<hbm>>
    tpu.wait_dma2 semaphore(%arg11 : memref<!tpu.dma_semaphore, #tpu.memory_space<semaphore_mem>>) src(%arg7 : memref<32x8x128xf32, #tpu.memory_space<vmem>>) dst(%dma_wait3A_58 : memref<32x8x128xf32, #tpu.memory_space<hbm>>)
    %dma_start3A_59 = arith.constant 96 : i32
    %dma_start3A_60 = tpu.memref_slice %arg5[%dma_start3A_59] : memref<128xi32, #tpu.memory_space<vmem>> -> memref<32xi32, #tpu.memory_space<vmem>>
    %dma_start3A_61 = arith.constant 0 : i32
    %dma_start3A_62 = arith.constant 0 : i32
    %dma_start3A_63 = arith.constant 0 : i32
    %dma_start3A_64 = tpu.memref_slice %arg2[%dma_start3A_61, %dma_start3A_62, %dma_start3A_63] : memref<8192x8x128xf32, #tpu.memory_space<hbm>> -> memref<8192x8x128xf32, #tpu.memory_space<hbm>>
    tpu.enqueue_indirect_dma source(%dma_start3A_64 : memref<8192x8x128xf32, #tpu.memory_space<hbm>>) target(%arg7 : memref<32x8x128xf32, #tpu.memory_space<vmem>>) offsets(%dma_start3A_60 : memref<32xi32, #tpu.memory_space<vmem>>) semaphore(%arg9 : memref<!tpu.dma_semaphore, #tpu.memory_space<semaphore_mem>>)
    %dma_wait3A_65 = arith.constant 64 : i32
    %dma_wait3A_66 = tpu.memref_slice %arg5[%dma_wait3A_65] : memref<128xi32, #tpu.memory_space<vmem>> -> memref<32xi32, #tpu.memory_space<vmem>>
    %dma_wait3A_67 = arith.constant 0 : i32
    %dma_wait3A_68 = arith.constant 0 : i32
    %dma_wait3A_69 = arith.constant 0 : i32
    %dma_wait3A_70 = tpu.memref_slice %arg2[%dma_wait3A_67, %dma_wait3A_68, %dma_wait3A_69] : memref<8192x8x128xf32, #tpu.memory_space<hbm>> -> memref<8192x8x128xf32, #tpu.memory_space<hbm>>
    tpu.wait_indirect_dma semaphore(%arg8 : memref<!tpu.dma_semaphore, #tpu.memory_space<semaphore_mem>>) src(%dma_wait3A_70 : memref<8192x8x128xf32, #tpu.memory_space<hbm>>) dst(%arg6 : memref<32x8x128xf32, #tpu.memory_space<vmem>>)
    %add3A_71 = arith.constant 64 : i32
    %add3A_72 = arith.addi %mul3A_2, %add3A_71 : i32
    %dma_start3A_73 = arith.constant 0 : i32
    %dma_start3A_74 = arith.constant 0 : i32
    %dma_start3A_75 = tpu.memref_slice %arg4[%add3A_72, %dma_start3A_73, %dma_start3A_74] : memref<4096x8x128xf32, #tpu.memory_space<hbm>> -> memref<32x8x128xf32, #tpu.memory_space<hbm>>
    %dma_start3A_76 = arith.constant 0 : i32
    %dma_start3A_77 = arith.constant 0 : i32
    %dma_start3A_78 = tpu.memref_slice %arg4[%add3A_72, %dma_start3A_76, %dma_start3A_77] : memref<4096x8x128xf32, #tpu.memory_space<hbm>> -> memref<32x8x128xf32, #tpu.memory_space<hbm>>
    tpu.enqueue_dma source(%arg6 : memref<32x8x128xf32, #tpu.memory_space<vmem>>) target(%dma_start3A_78 : memref<32x8x128xf32, #tpu.memory_space<hbm>>) target_semaphore(%arg10 : memref<!tpu.dma_semaphore, #tpu.memory_space<semaphore_mem>>)
    %dma_wait3A_79 = arith.constant 96 : i32
    %dma_wait3A_80 = tpu.memref_slice %arg5[%dma_wait3A_79] : memref<128xi32, #tpu.memory_space<vmem>> -> memref<32xi32, #tpu.memory_space<vmem>>
    %dma_wait3A_81 = arith.constant 0 : i32
    %dma_wait3A_82 = arith.constant 0 : i32
    %dma_wait3A_83 = arith.constant 0 : i32
    %dma_wait3A_84 = tpu.memref_slice %arg2[%dma_wait3A_81, %dma_wait3A_82, %dma_wait3A_83] : memref<8192x8x128xf32, #tpu.memory_space<hbm>> -> memref<8192x8x128xf32, #tpu.memory_space<hbm>>
    tpu.wait_indirect_dma semaphore(%arg9 : memref<!tpu.dma_semaphore, #tpu.memory_space<semaphore_mem>>) src(%dma_wait3A_84 : memref<8192x8x128xf32, #tpu.memory_space<hbm>>) dst(%arg7 : memref<32x8x128xf32, #tpu.memory_space<vmem>>)
    %add3A_85 = arith.constant 96 : i32
    %add3A_86 = arith.addi %mul3A_2, %add3A_85 : i32
    %dma_start3A_87 = arith.constant 0 : i32
    %dma_start3A_88 = arith.constant 0 : i32
    %dma_start3A_89 = tpu.memref_slice %arg4[%add3A_86, %dma_start3A_87, %dma_start3A_88] : memref<4096x8x128xf32, #tpu.memory_space<hbm>> -> memref<32x8x128xf32, #tpu.memory_space<hbm>>
    %dma_start3A_90 = arith.constant 0 : i32
    %dma_start3A_91 = arith.constant 0 : i32
    %dma_start3A_92 = tpu.memref_slice %arg4[%add3A_86, %dma_start3A_90, %dma_start3A_91] : memref<4096x8x128xf32, #tpu.memory_space<hbm>> -> memref<32x8x128xf32, #tpu.memory_space<hbm>>
    tpu.enqueue_dma source(%arg7 : memref<32x8x128xf32, #tpu.memory_space<vmem>>) target(%dma_start3A_92 : memref<32x8x128xf32, #tpu.memory_space<hbm>>) target_semaphore(%arg11 : memref<!tpu.dma_semaphore, #tpu.memory_space<semaphore_mem>>)
    %dma_wait3A_93 = arith.constant 0 : i32
    %dma_wait3A_94 = arith.constant 0 : i32
    %dma_wait3A_95 = tpu.memref_slice %arg4[%add3A_72, %dma_wait3A_93, %dma_wait3A_94] : memref<4096x8x128xf32, #tpu.memory_space<hbm>> -> memref<32x8x128xf32, #tpu.memory_space<hbm>>
    %dma_wait3A_96 = arith.constant 0 : i32
    %dma_wait3A_97 = arith.constant 0 : i32
    %dma_wait3A_98 = tpu.memref_slice %arg4[%add3A_72, %dma_wait3A_96, %dma_wait3A_97] : memref<4096x8x128xf32, #tpu.memory_space<hbm>> -> memref<32x8x128xf32, #tpu.memory_space<hbm>>
    tpu.wait_dma2 semaphore(%arg10 : memref<!tpu.dma_semaphore, #tpu.memory_space<semaphore_mem>>) src(%arg6 : memref<32x8x128xf32, #tpu.memory_space<vmem>>) dst(%dma_wait3A_98 : memref<32x8x128xf32, #tpu.memory_space<hbm>>)
    %dma_wait3A_99 = arith.constant 0 : i32
    %dma_wait3A_100 = arith.constant 0 : i32
    %dma_wait3A_101 = tpu.memref_slice %arg4[%add3A_86, %dma_wait3A_99, %dma_wait3A_100] : memref<4096x8x128xf32, #tpu.memory_space<hbm>> -> memref<32x8x128xf32, #tpu.memory_space<hbm>>
    %dma_wait3A_102 = arith.constant 0 : i32
    %dma_wait3A_103 = arith.constant 0 : i32
    %dma_wait3A_104 = tpu.memref_slice %arg4[%add3A_86, %dma_wait3A_102, %dma_wait3A_103] : memref<4096x8x128xf32, #tpu.memory_space<hbm>> -> memref<32x8x128xf32, #tpu.memory_space<hbm>>
    tpu.wait_dma2 semaphore(%arg11 : memref<!tpu.dma_semaphore, #tpu.memory_space<semaphore_mem>>) src(%arg7 : memref<32x8x128xf32, #tpu.memory_space<vmem>>) dst(%dma_wait3A_104 : memref<32x8x128xf32, #tpu.memory_space<hbm>>)
    return
  }
}

module attributes {stable_mosaic.version = 14 : i64} {
  func.func @_tc_add_body(%arg0: i32, %arg1: memref<4x256x1024xf32, #tpu.memory_space<vmem>>, %arg2: memref<256x8x128xf32, #tpu.memory_space<vmem>>, %arg3: memref<4x256x1024xf32, #tpu.memory_space<vmem>>) attributes {dimension_semantics = [#tpu.dimension_semantics<arbitrary>], iteration_bounds = array<i64: 16>, scalar_prefetch = 0 : i64, scratch_operands = 0 : i64, tpu.core_type = #tpu.core_type<tc>, window_params = [{transform_indices = @transform_0, window_bounds = array<i64: 4, 256, 1024>}, {transform_indices = @transform_1, window_bounds = array<i64: 256, 8, 128>}, {transform_indices = @transform_2, window_bounds = array<i64: 4, 256, 1024>}]} {
    %get3A = arith.constant 0 : index
    %get3A_0 = arith.constant 0 : index
    %get3A_1 = arith.constant 0 : index
    %get3A_2 = vector.load %arg1[%get3A, %get3A_0, %get3A_1] : memref<4x256x1024xf32, #tpu.memory_space<vmem>>, vector<4x256x128xf32>
    %get3A_3 = arith.constant 0 : index
    %get3A_4 = arith.constant 0 : index
    %get3A_5 = arith.constant 0 : index
    %get3A_6 = vector.load %arg2[%get3A_3, %get3A_4, %get3A_5] : memref<256x8x128xf32, #tpu.memory_space<vmem>>, vector<256x1x128xf32>
    %get3A_7 = vector.shape_cast %get3A_6 : vector<256x1x128xf32> to vector<256x128xf32>
    %broadcast_in_dim3A = vector.shape_cast %get3A_7 : vector<256x128xf32> to vector<1x256x128xf32>
    %add3A = vector.broadcast %broadcast_in_dim3A : vector<1x256x128xf32> to vector<4x256x128xf32>
    %add3A_8 = arith.addf %get3A_2, %add3A : vector<4x256x128xf32>
    %swap3A = arith.constant 0 : index
    %swap3A_9 = arith.constant 0 : index
    %swap3A_10 = arith.constant 0 : index
    %swap3A_11 = vector.load %arg3[%swap3A, %swap3A_9, %swap3A_10] : memref<4x256x1024xf32, #tpu.memory_space<vmem>>, vector<4x256x128xf32>
    tpu.vector_store %arg3[%swap3A, %swap3A_9, %swap3A_10], %add3A_8 {strides = array<i32>} : memref<4x256x1024xf32, #tpu.memory_space<vmem>>, vector<4x256x128xf32>,
    %get3A_12 = arith.constant 0 : index
    %get3A_13 = arith.constant 0 : index
    %get3A_14 = arith.constant 128 : index
    %get3A_15 = vector.load %arg1[%get3A_12, %get3A_13, %get3A_14] : memref<4x256x1024xf32, #tpu.memory_space<vmem>>, vector<4x256x128xf32>
    %get3A_16 = arith.constant 0 : index
    %get3A_17 = arith.constant 1 : index
    %get3A_18 = arith.constant 0 : index
    %get3A_19 = vector.load %arg2[%get3A_16, %get3A_17, %get3A_18] : memref<256x8x128xf32, #tpu.memory_space<vmem>>, vector<256x1x128xf32>
    %get3A_20 = vector.shape_cast %get3A_19 : vector<256x1x128xf32> to vector<256x128xf32>
    %broadcast_in_dim3A_21 = vector.shape_cast %get3A_20 : vector<256x128xf32> to vector<1x256x128xf32>
    %add3A_22 = vector.broadcast %broadcast_in_dim3A_21 : vector<1x256x128xf32> to vector<4x256x128xf32>
    %add3A_23 = arith.addf %get3A_15, %add3A_22 : vector<4x256x128xf32>
    %swap3A_24 = arith.constant 0 : index
    %swap3A_25 = arith.constant 0 : index
    %swap3A_26 = arith.constant 128 : index
    %swap3A_27 = vector.load %arg3[%swap3A_24, %swap3A_25, %swap3A_26] : memref<4x256x1024xf32, #tpu.memory_space<vmem>>, vector<4x256x128xf32>
    tpu.vector_store %arg3[%swap3A_24, %swap3A_25, %swap3A_26], %add3A_23 {strides = array<i32>} : memref<4x256x1024xf32, #tpu.memory_space<vmem>>, vector<4x256x128xf32>,
    %get3A_28 = arith.constant 0 : index
    %get3A_29 = arith.constant 0 : index
    %get3A_30 = arith.constant 256 : index
    %get3A_31 = vector.load %arg1[%get3A_28, %get3A_29, %get3A_30] : memref<4x256x1024xf32, #tpu.memory_space<vmem>>, vector<4x256x128xf32>
    %get3A_32 = arith.constant 0 : index
    %get3A_33 = arith.constant 2 : index
    %get3A_34 = arith.constant 0 : index
    %get3A_35 = vector.load %arg2[%get3A_32, %get3A_33, %get3A_34] : memref<256x8x128xf32, #tpu.memory_space<vmem>>, vector<256x1x128xf32>
    %get3A_36 = vector.shape_cast %get3A_35 : vector<256x1x128xf32> to vector<256x128xf32>
    %broadcast_in_dim3A_37 = vector.shape_cast %get3A_36 : vector<256x128xf32> to vector<1x256x128xf32>
    %add3A_38 = vector.broadcast %broadcast_in_dim3A_37 : vector<1x256x128xf32> to vector<4x256x128xf32>
    %add3A_39 = arith.addf %get3A_31, %add3A_38 : vector<4x256x128xf32>
    %swap3A_40 = arith.constant 0 : index
    %swap3A_41 = arith.constant 0 : index
    %swap3A_42 = arith.constant 256 : index
    %swap3A_43 = vector.load %arg3[%swap3A_40, %swap3A_41, %swap3A_42] : memref<4x256x1024xf32, #tpu.memory_space<vmem>>, vector<4x256x128xf32>
    tpu.vector_store %arg3[%swap3A_40, %swap3A_41, %swap3A_42], %add3A_39 {strides = array<i32>} : memref<4x256x1024xf32, #tpu.memory_space<vmem>>, vector<4x256x128xf32>,
    %get3A_44 = arith.constant 0 : index
    %get3A_45 = arith.constant 0 : index
    %get3A_46 = arith.constant 384 : index
    %get3A_47 = vector.load %arg1[%get3A_44, %get3A_45, %get3A_46] : memref<4x256x1024xf32, #tpu.memory_space<vmem>>, vector<4x256x128xf32>
    %get3A_48 = arith.constant 0 : index
    %get3A_49 = arith.constant 3 : index
    %get3A_50 = arith.constant 0 : index
    %get3A_51 = vector.load %arg2[%get3A_48, %get3A_49, %get3A_50] : memref<256x8x128xf32, #tpu.memory_space<vmem>>, vector<256x1x128xf32>
    %get3A_52 = vector.shape_cast %get3A_51 : vector<256x1x128xf32> to vector<256x128xf32>
    %broadcast_in_dim3A_53 = vector.shape_cast %get3A_52 : vector<256x128xf32> to vector<1x256x128xf32>
    %add3A_54 = vector.broadcast %broadcast_in_dim3A_53 : vector<1x256x128xf32> to vector<4x256x128xf32>
    %add3A_55 = arith.addf %get3A_47, %add3A_54 : vector<4x256x128xf32>
    %swap3A_56 = arith.constant 0 : index
    %swap3A_57 = arith.constant 0 : index
    %swap3A_58 = arith.constant 384 : index
    %swap3A_59 = vector.load %arg3[%swap3A_56, %swap3A_57, %swap3A_58] : memref<4x256x1024xf32, #tpu.memory_space<vmem>>, vector<4x256x128xf32>
    tpu.vector_store %arg3[%swap3A_56, %swap3A_57, %swap3A_58], %add3A_55 {strides = array<i32>} : memref<4x256x1024xf32, #tpu.memory_space<vmem>>, vector<4x256x128xf32>,
    %get3A_60 = arith.constant 0 : index
    %get3A_61 = arith.constant 0 : index
    %get3A_62 = arith.constant 512 : index
    %get3A_63 = vector.load %arg1[%get3A_60, %get3A_61, %get3A_62] : memref<4x256x1024xf32, #tpu.memory_space<vmem>>, vector<4x256x128xf32>
    %get3A_64 = arith.constant 0 : index
    %get3A_65 = arith.constant 4 : index
    %get3A_66 = arith.constant 0 : index
    %get3A_67 = vector.load %arg2[%get3A_64, %get3A_65, %get3A_66] : memref<256x8x128xf32, #tpu.memory_space<vmem>>, vector<256x1x128xf32>
    %get3A_68 = vector.shape_cast %get3A_67 : vector<256x1x128xf32> to vector<256x128xf32>
    %broadcast_in_dim3A_69 = vector.shape_cast %get3A_68 : vector<256x128xf32> to vector<1x256x128xf32>
    %add3A_70 = vector.broadcast %broadcast_in_dim3A_69 : vector<1x256x128xf32> to vector<4x256x128xf32>
    %add3A_71 = arith.addf %get3A_63, %add3A_70 : vector<4x256x128xf32>
    %swap3A_72 = arith.constant 0 : index
    %swap3A_73 = arith.constant 0 : index
    %swap3A_74 = arith.constant 512 : index
    %swap3A_75 = vector.load %arg3[%swap3A_72, %swap3A_73, %swap3A_74] : memref<4x256x1024xf32, #tpu.memory_space<vmem>>, vector<4x256x128xf32>
    tpu.vector_store %arg3[%swap3A_72, %swap3A_73, %swap3A_74], %add3A_71 {strides = array<i32>} : memref<4x256x1024xf32, #tpu.memory_space<vmem>>, vector<4x256x128xf32>,
    %get3A_76 = arith.constant 0 : index
    %get3A_77 = arith.constant 0 : index
    %get3A_78 = arith.constant 640 : index
    %get3A_79 = vector.load %arg1[%get3A_76, %get3A_77, %get3A_78] : memref<4x256x1024xf32, #tpu.memory_space<vmem>>, vector<4x256x128xf32>
    %get3A_80 = arith.constant 0 : index
    %get3A_81 = arith.constant 5 : index
    %get3A_82 = arith.constant 0 : index
    %get3A_83 = vector.load %arg2[%get3A_80, %get3A_81, %get3A_82] : memref<256x8x128xf32, #tpu.memory_space<vmem>>, vector<256x1x128xf32>
    %get3A_84 = vector.shape_cast %get3A_83 : vector<256x1x128xf32> to vector<256x128xf32>
    %broadcast_in_dim3A_85 = vector.shape_cast %get3A_84 : vector<256x128xf32> to vector<1x256x128xf32>
    %add3A_86 = vector.broadcast %broadcast_in_dim3A_85 : vector<1x256x128xf32> to vector<4x256x128xf32>
    %add3A_87 = arith.addf %get3A_79, %add3A_86 : vector<4x256x128xf32>
    %swap3A_88 = arith.constant 0 : index
    %swap3A_89 = arith.constant 0 : index
    %swap3A_90 = arith.constant 640 : index
    %swap3A_91 = vector.load %arg3[%swap3A_88, %swap3A_89, %swap3A_90] : memref<4x256x1024xf32, #tpu.memory_space<vmem>>, vector<4x256x128xf32>
    tpu.vector_store %arg3[%swap3A_88, %swap3A_89, %swap3A_90], %add3A_87 {strides = array<i32>} : memref<4x256x1024xf32, #tpu.memory_space<vmem>>, vector<4x256x128xf32>,
    %get3A_92 = arith.constant 0 : index
    %get3A_93 = arith.constant 0 : index
    %get3A_94 = arith.constant 768 : index
    %get3A_95 = vector.load %arg1[%get3A_92, %get3A_93, %get3A_94] : memref<4x256x1024xf32, #tpu.memory_space<vmem>>, vector<4x256x128xf32>
    %get3A_96 = arith.constant 0 : index
    %get3A_97 = arith.constant 6 : index
    %get3A_98 = arith.constant 0 : index
    %get3A_99 = vector.load %arg2[%get3A_96, %get3A_97, %get3A_98] : memref<256x8x128xf32, #tpu.memory_space<vmem>>, vector<256x1x128xf32>
    %get3A_100 = vector.shape_cast %get3A_99 : vector<256x1x128xf32> to vector<256x128xf32>
    %broadcast_in_dim3A_101 = vector.shape_cast %get3A_100 : vector<256x128xf32> to vector<1x256x128xf32>
    %add3A_102 = vector.broadcast %broadcast_in_dim3A_101 : vector<1x256x128xf32> to vector<4x256x128xf32>
    %add3A_103 = arith.addf %get3A_95, %add3A_102 : vector<4x256x128xf32>
    %swap3A_104 = arith.constant 0 : index
    %swap3A_105 = arith.constant 0 : index
    %swap3A_106 = arith.constant 768 : index
    %swap3A_107 = vector.load %arg3[%swap3A_104, %swap3A_105, %swap3A_106] : memref<4x256x1024xf32, #tpu.memory_space<vmem>>, vector<4x256x128xf32>
    tpu.vector_store %arg3[%swap3A_104, %swap3A_105, %swap3A_106], %add3A_103 {strides = array<i32>} : memref<4x256x1024xf32, #tpu.memory_space<vmem>>, vector<4x256x128xf32>,
    %get3A_108 = arith.constant 0 : index
    %get3A_109 = arith.constant 0 : index
    %get3A_110 = arith.constant 896 : index
    %get3A_111 = vector.load %arg1[%get3A_108, %get3A_109, %get3A_110] : memref<4x256x1024xf32, #tpu.memory_space<vmem>>, vector<4x256x128xf32>
    %get3A_112 = arith.constant 0 : index
    %get3A_113 = arith.constant 7 : index
    %get3A_114 = arith.constant 0 : index
    %get3A_115 = vector.load %arg2[%get3A_112, %get3A_113, %get3A_114] : memref<256x8x128xf32, #tpu.memory_space<vmem>>, vector<256x1x128xf32>
    %get3A_116 = vector.shape_cast %get3A_115 : vector<256x1x128xf32> to vector<256x128xf32>
    %broadcast_in_dim3A_117 = vector.shape_cast %get3A_116 : vector<256x128xf32> to vector<1x256x128xf32>
    %add3A_118 = vector.broadcast %broadcast_in_dim3A_117 : vector<1x256x128xf32> to vector<4x256x128xf32>
    %add3A_119 = arith.addf %get3A_111, %add3A_118 : vector<4x256x128xf32>
    %swap3A_120 = arith.constant 0 : index
    %swap3A_121 = arith.constant 0 : index
    %swap3A_122 = arith.constant 896 : index
    %swap3A_123 = vector.load %arg3[%swap3A_120, %swap3A_121, %swap3A_122] : memref<4x256x1024xf32, #tpu.memory_space<vmem>>, vector<4x256x128xf32>
    tpu.vector_store %arg3[%swap3A_120, %swap3A_121, %swap3A_122], %add3A_119 {strides = array<i32>} : memref<4x256x1024xf32, #tpu.memory_space<vmem>>, vector<4x256x128xf32>,
    return
  }
  func.func @transform_0(%arg0: i32) -> (i32, i32, i32) {
    %c0_i32 = arith.constant 0 : i32
    %c0_i32_0 = arith.constant 0 : i32
    %c0_i32_1 = arith.constant 0 : i32
    return %c0_i32, %arg0, %c0_i32_0 : i32, i32, i32
  }
  func.func @transform_1(%arg0: i32) -> (i32, i32, i32) {
    %c0_i32 = arith.constant 0 : i32
    %c0_i32_0 = arith.constant 0 : i32
    %c0_i32_1 = arith.constant 0 : i32
    return %arg0, %c0_i32, %c0_i32_0 : i32, i32, i32
  }
  func.func @transform_2(%arg0: i32) -> (i32, i32, i32) {
    %c0_i32 = arith.constant 0 : i32
    %c0_i32_0 = arith.constant 0 : i32
    %c0_i32_1 = arith.constant 0 : i32
    return %c0_i32, %arg0, %c0_i32_0 : i32, i32, i32
  }
}

</mosaic_0001>

<sc_bundles>
// kernel: kernel.4.cloned.1.call-start
scs
__scs_entry_jumppad:
0x0: {  	(pc) =	sbr.rel $0x88, $3  }
0x1: {  	(tag) =	ssettag $0x0;
	lr =	simm.s32 $0x1  }
0x2: {  	[smem:$0x3F9E] =	sst lr;
	_ =	strace $0xD0000000  }
0x3: {  	_ = 	snop  }
0x4: {  	_ = 	snop  }
0x5: {  	_ = 	snop  }
0x6: {  	_ = 	snop  }
0x7: {  	_ = 	snop  }
__scs_overlays_trampoline_lowered:
0x8: {  	[smem:$0x3FAD] =	sst s0  }
0x9: {  	[smem:$0x3FAE] =	sst s1  }
0xa: {  	[smem:$0x3FAF] =	sst s2  }
0xb: {  	[smem:$0x3FB0] =	sst s3  }
0xc: {  	[smem:$0x3FB1] =	sst s4  }
0xd: {  	[smem:$0x3FB2] =	sst s5  }
0xe: {  	[smem:$0x3FB3] =	sst s6  }
0xf: {  	[smem:$0x3FB4] =	sst s7  }
0x10: {  	[smem:$0x3FB5] =	sst s8  }
0x11: {  	[smem:$0x3FB6] =	sst s9;
	s0 =	simm.s32 @!p0 $0x0  }
0x12: {  	s1 =	sld [smem:$0x3F9C];
	s0 =	simm.s32 @p0 $0x1  }
0x13: {  	[smem:$0x3FB7] =	sst s0;
	s0 =	simm.s32 @!p1 $0x0  }
0x14: {  	s2 =	sld [smem:$0x3F9B];
	s0 =	simm.s32 @p1 $0x1  }
0x15: {  	[smem:$0x3FB8] =	sst s0;
	s0 =	simm.s32 @!p2 $0x0  }
0x16: {  	s3 =	sld [smem:$0x3FDB];
	s0 =	simm.s32 @p2 $0x1  }
0x17: {  	s4 =	simm.s32 $0x1BF5;
	[smem:$0x3FBA] =	sst s0  }
0x18: {  	s0 =	sld [smem:$0x3F9D];
	_ =	swait.ge [sflag:s4], $0x0  }
0x19: {  	s7 =	sld [smem:$0x3F9E]  }
0x1a: {  	s8 =	sadd.s32 $0xFFFFE003, lr  }
0x1b: {  	s9 =	sadd.s32 $0xFFFFFEF7, lr;
	s5 =	simm.s32 $0xFFFFFFFF;
	p2 =	slt.u32 s8, $0xFFFFF086  }
0x1c: {  	p1 =	slt.u32 s9, $0xF7A;
	s5 =	simm.s32 @!p2 $0x0  }
0x1d: {  	s5 =	simm.s32 @p1 $0x1;
	p0 =	seq.s32 s7, s2  }
0x1e: {  	s7 =	smul.u32 @!p0 $0xF7A, s2;
	p2 =	seq.s32 @!p0 s5, $0x0  }
0x1f: {  	s9 =	smul.u32 $0xF7A, s1;
	s8 =	simm.s32 @!p0 $0x1BF5;
	p2 =	por !p2, p0  }
0x20: {  	[sflag:s8] =	ssyncset.s32 @!p0 $0xFFFFF086;
	s6 =	sadd.s32 @!p0 s3, s7;
	s7 =	simm.s32 @!p0 $0x108  }
0x21: {  	s3 =	sadd.s32 s3, s9;
	s6 =	sadd.s32 @!p0 $0x88, s6;
	s7 =	simm.s32 @p2 $0x1082  }
0x22: {  	[simem:s7], [sflag:s8] =	dma.local @!p0 [hbm:s6], $0xF7A  }
0x23: {  	s9 =	sor.u32 $0xD0000000, s2;
	s6 =	simm.s32 $0x108;
	_ =	swait.ge @!p0 [sflag:s8], $0x0  }
0x24: {  	s3 =	sadd.s32 $0x88, s3;
	s6 =	simm.s32 @!p1 $0x1082;
	[sflag:s4] =	ssyncset.s32 $0xFFFFF086  }
0x25: {  	[simem:s6], [sflag:s4] =	dma.local [hbm:s3], $0xF7A  }
0x26: {  	[smem:$0x3F9E] =	sst s1;
	(tag) =	ssettag s2;
	_ =	strace s9  }
0x27: {  	s1 =	sld [smem:$0x3FAE]  }
0x28: {  	s2 =	sld [smem:$0x3FAF]  }
0x29: {  	s4 =	sld [smem:$0x3FB1]  }
0x2a: {  	p0 =	seq.s32 s5, $0x0;
	s5 =	sld [smem:$0x3FB2]  }
0x2b: {  	s6 =	sld [smem:$0x3FB3]  }
0x2c: {  	s7 =	sld [smem:$0x3FB4]  }
0x2d: {  	s3 =	simm.s32 $0x108;
	s8 =	sld [smem:$0x3FB5]  }
0x2e: {  	s3 =	simm.s32 @!p0 $0x1082;
	s9 =	sld [smem:$0x3FB6]  }
0x2f: {  	lr =	sadd.s32 s0, s3;
	s0 =	sld [smem:$0x3FAD]  }
0x30: {  	s3 =	sld [smem:$0x3FB0]  }
0x31: {  	[smem:$0x3FB9] =	sst s10  }
0x32: {  	s10 =	sld [smem:$0x3FB7];
	_ =	sdelay $0x3  }
0x33: {  	p0 =	seq.s32 s10, $0x1;
	s10 =	sld [smem:$0x3FB9];
	_ =	sdelay $0x3  }
0x34: {  	[smem:$0x3FB9] =	sst s10  }
0x35: {  	s10 =	sld [smem:$0x3FB8];
	_ =	sdelay $0x3  }
0x36: {  	p1 =	seq.s32 s10, $0x1;
	s10 =	sld [smem:$0x3FB9];
	_ =	sdelay $0x3  }
0x37: {  	[smem:$0x3FB9] =	sst s10  }
0x38: {  	s10 =	sld [smem:$0x3FBA]  }
0x39: {  	_ = 	snop;
	(pc) =	sbr.ind lr, $3  }
0x3a: {  	_ = 	snop  }
0x3b: {  	_ = 	snop  }
0x3c: {  	p2 =	seq.s32 s10, $0x1;
	s10 =	sld [smem:$0x3FB9]  }
0x3d: {  	_ =	shalt  }
0x3e: {  	_ =	shalt  }
0x3f: {  	_ =	shalt  }
0x40: {  	_ =	shalt  }
0x41: {  	_ =	shalt  }
0x42: {  	_ =	shalt  }
0x43: {  	_ =	shalt  }
0x44: {  	_ =	shalt  }
0x45: {  	_ =	shalt  }
0x46: {  	_ =	shalt  }
0x47: {  	_ =	shalt  }
0x48: {  	_ =	shalt  }
0x49: {  	_ =	shalt  }
0x4a: {  	_ =	shalt  }
0x4b: {  	_ =	shalt  }
0x4c: {  	_ =	shalt  }
0x4d: {  	_ =	shalt  }
0x4e: {  	_ =	shalt  }
0x4f: {  	_ =	shalt  }
0x50: {  	_ =	shalt  }
0x51: {  	_ =	shalt  }
0x52: {  	_ =	shalt  }
0x53: {  	_ =	shalt  }
0x54: {  	_ =	shalt  }
0x55: {  	_ =	shalt  }
0x56: {  	_ =	shalt  }
0x57: {  	_ =	shalt  }
0x58: {  	_ =	shalt  }
0x59: {  	_ =	shalt  }
0x5a: {  	_ =	shalt  }
0x5b: {  	_ =	shalt  }
0x5c: {  	_ =	shalt  }
0x5d: {  	_ =	shalt  }
0x5e: {  	_ =	shalt  }
0x5f: {  	_ =	shalt  }
0x60: {  	_ =	shalt  }
0x61: {  	_ =	shalt  }
0x62: {  	_ =	shalt  }
0x63: {  	_ =	shalt  }
0x64: {  	_ =	shalt  }
0x65: {  	_ =	shalt  }
0x66: {  	_ =	shalt  }
0x67: {  	_ =	shalt  }
0x68: {  	_ =	shalt  }
0x69: {  	_ =	shalt  }
0x6a: {  	_ =	shalt  }
0x6b: {  	_ =	shalt  }
0x6c: {  	_ =	shalt  }
0x6d: {  	_ =	shalt  }
0x6e: {  	_ =	shalt  }
0x6f: {  	_ =	shalt  }
0x70: {  	_ =	shalt  }
0x71: {  	_ =	shalt  }
0x72: {  	_ =	shalt  }
0x73: {  	_ =	shalt  }
0x74: {  	_ =	shalt  }
0x75: {  	_ =	shalt  }
0x76: {  	_ =	shalt  }
0x77: {  	_ =	shalt  }
0x78: {  	_ =	shalt  }
0x79: {  	_ =	shalt  }
0x7a: {  	_ =	shalt  }
0x7b: {  	_ =	shalt  }
0x7c: {  	_ =	shalt  }
0x7d: {  	_ =	shalt  }
0x7e: {  	_ =	shalt  }
0x7f: {  	_ =	shalt  }
0x80: {  	_ =	shalt  }
0x81: {  	_ =	shalt  }
0x82: {  	_ =	shalt  }
0x83: {  	_ =	shalt  }
0x84: {  	_ =	shalt  }
0x85: {  	_ =	shalt  }
0x86: {  	_ =	shalt  }
0x87: {  	_ =	shalt  }
.Lfunc_end0:
.L_simem_size_0:
called_computation_lowered:
.L_overlay_start_0:
0x88: {  	s2 =	sld [smem:$0x3FD9]  }
0x89: {  	s3 =	sld [smem:$0x3FFE];
	_ =	sdelay $0x1  }
0x8a: {  	s1 =	srdreg.scid  }
0x8b: {  	s0 =	sand.u32 $0x1, s1  }
0x8c: {  	s18 =	sshll.u32 s0, $0xA;
	s2 =	sadd.s32 s3, s2  }
0x8d: {  	s2 =	sadd.s32 s2, s18  }
0x8e: {  	[smem:$0x3FC5] =	sst s2  }
0x8f: {  	_ = 	snop  }
0x90: {  	s2 =	sld [smem:$0x3FC8]  }
0x91: {  	s19 =	sld [smem:$0x3FC7]  }
0x92: {  	s4 =	sld [smem:$0x3FD0];
	(tm) =	ssettm $0x1  }
0x93: {  	s5 =	sld [smem:$0x3FFB];
	_ =	sdelay $0x3  }
0x94: {  	_ =	strace s5  }
0x95: {  	s5 =	sld [smem:$0x3FFC];
	_ =	sdelay $0x3  }
0x96: {  	_ =	strace s5  }
0x97: {  	s5 =	sld [smem:$0x3FFD];
	_ =	sdelay $0x3  }
0x98: {  	_ =	strace s5  }
0x99: {  	_ =	strace $0x8FFFFFFF  }
0x9a: {  	s20 =	sld [smem:$0x3FDB];
	_ =	sdelay $0x1  }
0x9b: {  	s6 =	simm.s32 $_scs_section_size  }
0x9c: {  	s7 =	simm.s32 $_size__tile_overlayer_lowered;
	s8 =	simm.s32 $_tile_overlayer_lowered  }
0x9d: {  	s23 =	simm.s32 $0x1BFF;
	s22 =	sshll.u32 s8, $0x1;
	s5 =	sadd.s32 s6, s20  }
0x9e: {  	s9 =	simm.s32 $0x0;
	s21 =	sshll.u32 s7, $0x1;
	s7 =	sadd.s32 s22, s5  }
0x9f: {  	[timem:s9], [sflag:s23] =	dma.local [hbm:s7], s21  }
0xa0: {  	_ =	swait.ge [sflag:s23], s21  }
0xa1: {  	s6 =	ssub.s32 $0x0, s21;
	[sflag:s23] =	ssyncset.done $0x0  }
0xa2: {  	[sflag:s23] =	ssyncadd.s32 s6;
	_ =	sdelay $0x1  }
0xa3: {  	s24 =	simm.s32 $0x1B8B  }
0xa4: {  	_ =	swait.ge [sflag:s24], $0x1  }
0xa5: {  	[sflag:s24] =	ssyncset.done $0x0  }
0xa6: {  	s25 =	simm.s32 $0x1B8E;
	[sflag:s24] =	ssyncadd.s32 $0xFFFFFFFF  }
0xa7: {  	s26 =	simm.s32 $execute0_lowered;
	[smem:$0x3FD2] =	sst s25  }
0xa8: {  	s6 =	sshll.u32 s26, $0x1;
	_ =	strace $0x80000046;
	[dreg:$0x1] =	wrdreg $0xFFFFFFFF  }
0xa9: {  	s28 =	simm.s32 $_size_execute0_lowered;
	s5 =	sadd.s32 s5, s6;
	[dreg:$0x0] =	wrdreg $0x0  }
0xaa: {  	s6 =	sshll.u32 s28, $0x1;
	[dreg:$0x2] =	wrdreg s5  }
0xab: {  	[dreg:$0x3] =	wrdreg s6  }
0xac: {  	[dreg:$0x4] =	wrdreg $0xC0  }
0xad: {  	_ =	task [dreg:s9], $0x5FFFF  }
0xae: {  	[dreg:$0x1] =	wrdreg $0xFFFFFFFF  }
0xaf: {  	[dreg:$0x0] =	wrdreg $0x60  }
0xb0: {  	[dreg:$0x2] =	wrdreg s19  }
0xb1: {  	[dreg:$0x3] =	wrdreg s2  }
0xb2: {  	[dreg:$0x4] =	wrdreg s4  }
0xb3: {  	[dreg:$0x5] =	wrdreg $0x9  }
0xb4: {  	_ =	task.clear_ibuf [dreg:s9], $0x6FFFF;
	_ =	strace $0x90000046  }
0xb5: {  	s29 =	simm.s32 $0x9;
	_ =	strace $0x80000048  }
0xb6: {  	_ =	swait.ge [sflag:s29], $0x1  }
0xb7: {  	[sflag:s29] =	ssyncadd.s32 $0xFFFFFFFF  }
0xb8: {  	_ =	strace $0x90000048  }
0xb9: {  	_ =	sfence  }
0xba: {  	s30 =	sld [smem:$0x0];
	_ =	sdelay $0x2  }
0xbb: {  	s31 =	sshll.u32 s1, $0xD;
	s1 =	sshrl.u32 s1, $0x2  }
0xbc: {  	s3 =	sand.u32 $0x4000, s31;
	s1 =	sadd.s32 s1, s30  }
0xbd: {  	s0 =	sor.u32 s3, s0;
	s1 =	sshll.u32 s1, $0x11  }
0xbe: {  	s0 =	sor.u32 s1, s0  }
0xbf: {  	s0 =	sadd.s32 $0x8F2B, s0  }
0xc0: {  	[sflag:s0] =	ssyncadd.remote.s32 $0x1  }
0xc1: {  	_ =	sfence.sel $0xFFFF  }
0xc2: {  	[dreg:$0x0] =	wrdreg $0xFFFFFFFF;
	(pc) =	sbr.abs _section_cstart, $3  }
0xc3: {  	[dreg:$0x1] =	wrdreg $0xFFFFFFFF  }
0xc4: {  	_ =	task.clear_ibuf [dreg:s9], $0x2FFFF;
	_ =	strace $0x9FFFFFFF  }
0xc5: {  	(tm) =	ssettm $0x7FFFFFFF  }
tec
execute0_lowered:
.L_overlay_start_1:
0x0: {  	(tag) =	ssettag $0x1  }
0x1: {  	s1 =	rddreg [dreg:$0x0];
	s2 =	srdreg.scid  }
0x2: {  	s4 =	rddreg [dreg:$0x1];
	s0 =	stileid.u32;
	s18 =	sand.u32 $0x1, s2  }
0x3: {  	s10 =	rddreg [dreg:$0x2];
	s5 =	sshll.u32 s0, $0x8;
	s6 =	sshll.u32 s18, $0x7  }
0x4: {  	s3 =	simm.s32 $0x0;
	s2 =	rddreg [dreg:$0x3];
	s11 =	sor.u32 s6, s5  }
0x5: {  	[smem:$0x7FF] =	sst s3;
	s5 =	sshrl.u32 s11, $0x3  }
0x6: {  	_ =	strace $0x80000047;
	s4 =	sadd.s32 s4, s5;
	s5 =	simm.s32 $0x5  }
0x7: {  	[tilespmem:s3], [sflag:$0x5] =	stream.linear.gather [hbm4b:s4+s3], $0x80, $0x38;
	[tilespmem:$0x10080] =	vst v63  }
0x8: {  	_ =	swait.ge [sflag:s5], $0x80  }
0x9: {  	[sflag:s5] =	ssyncset.done $0x0  }
0xa: {  	s7 =	simm.s32 $0x80;
	s6 =	simm.s32 $0x20;
	[sflag:s5] =	ssyncadd.s32 $0xFFFFFF80  }
0xb: {  	[tilespmem:s7], [sflag:$0x1] =	stream.indirect.gather [hbm4b:s1+s6], $0x400, s3, s6, $0xb8;
	[tilespmem:$0x10080] =	vst v63  }
0xc: {  	s8 =	simm.s32 $0x8080;
	s9 =	simm.s32 $0x1  }
0xd: {  	[tilespmem:s8], [sflag:$0x2] =	stream.indirect.gather [hbm4b:s1+s6], $0x400, s6, s6, $0xb8;
	[tilespmem:$0x10080] =	vst v63  }
0xe: {  	_ =	swait.ge [sflag:s9], $0x8000  }
0xf: {  	s11 =	sshll.u32 s11, $0x7;
	[sflag:s9] =	ssyncset.done $0x0  }
0x10: {  	s10 =	sadd.s32 s10, s11;
	s11 =	simm.s32 $0x2;
	[sflag:s9] =	ssyncadd.s32 $0xFFFF8000  }
0x11: {  	[hbm4b:s10+s3] =	stream.linear.scatter [tilespmem:s7], [sflag:$0x3], $0x8000, $0x38;
	[tilespmem:$0x10080] =	vst v63  }
0x12: {  	_ =	swait.ge [sflag:s11], $0x8000  }
0x13: {  	[sflag:s11] =	ssyncset.done $0x0  }
0x14: {  	s13 =	simm.s32 $0x3;
	s12 =	sadd.s32 $0x1000, s10;
	[sflag:s11] =	ssyncadd.s32 $0xFFFF8000  }
0x15: {  	[hbm4b:s12+s3] =	stream.linear.scatter [tilespmem:s8], [sflag:$0x4], $0x8000, $0x38;
	[tilespmem:$0x10080] =	vst v63  }
0x16: {  	_ =	swait.ge [sflag:s13], $0x8000  }
0x17: {  	[sflag:s13] =	ssyncset.done $0x0  }
0x18: {  	s15 =	simm.s32 $0x40;
	s14 =	simm.s32 $0x4;
	[sflag:s13] =	ssyncadd.s32 $0xFFFF8000  }
0x19: {  	[tilespmem:s7], [sflag:$0x1] =	stream.indirect.gather [hbm4b:s1+s6], $0x400, s15, s6, $0xb8;
	[tilespmem:$0x10080] =	vst v63  }
0x1a: {  	_ =	swait.ge [sflag:s14], $0x8000  }
0x1b: {  	[sflag:s14] =	ssyncset.done $0x0  }
0x1c: {  	s16 =	simm.s32 $0x60;
	[sflag:s14] =	ssyncadd.s32 $0xFFFF8000  }
0x1d: {  	[tilespmem:s8], [sflag:$0x2] =	stream.indirect.gather [hbm4b:s1+s6], $0x400, s16, s6, $0xb8;
	[tilespmem:$0x10080] =	vst v63  }
0x1e: {  	_ =	swait.ge [sflag:s9], $0x8000  }
0x1f: {  	s19 =	ssub.s32 $0x2, s18;
	[sflag:s9] =	ssyncset.done $0x0  }
0x20: {  	s20 =	sshrl.u32 s19, $0x1;
	s17 =	sadd.s32 $0x2000, s10;
	[sflag:s9] =	ssyncadd.s32 $0xFFFF8000  }
0x21: {  	[hbm4b:s17+s3] =	stream.linear.scatter [tilespmem:s7], [sflag:$0x3], $0x8000, $0x38;
	[tilespmem:$0x10080] =	vst v63  }
0x22: {  	s19 =	ssub.s32 s19, s20;
	_ =	swait.ge [sflag:s11], $0x8000  }
0x23: {  	s19 =	smax.u32 s19, $0x1;
	[sflag:s11] =	ssyncset.done $0x0  }
0x24: {  	s18 =	sadd.s32 $0x3000, s10;
	p0 =	sne.s32 s19, $0x1;
	[sflag:s11] =	ssyncadd.s32 $0xFFFF8000  }
0x25: {  	[hbm4b:s18+s3] =	stream.linear.scatter [tilespmem:s8], [sflag:$0x4], $0x8000, $0x38;
	[tilespmem:$0x10080] =	vst v63  }
.Ltmp0:
0x26: {  	_ =	swait.ge [sflag:s13], $0x8000;
	(pc) =	sbr.rel @!p0 .LBB2_2-.Ltmp0, $4  }
0x27: {  	[sflag:s13] =	ssyncset.done $0x0  }
0x28: {  	[sflag:s13] =	ssyncadd.s32 $0xFFFF8000  }
0x29: {  	_ =	swait.ge [sflag:s14], $0x8000  }
0x2a: {  	s19 =	sadd.s32 $0xFFFFFFFF, s19;
	[sflag:s14] =	ssyncset.done $0x0  }
.LBB2_1:
0x2b: {  	p0 =	sne.s32 s19, $0x1;
	s19 =	sadd.s32 $0xFFFFFFFF, s19;
	[sflag:s14] =	ssyncadd.s32 $0xFFFF8000  }
0x2c: {  	[tilespmem:s3], [sflag:$0x5] =	stream.linear.gather [hbm4b:s4+s3], $0x80, $0x38;
	[tilespmem:$0x10080] =	vst v63  }
0x2d: {  	_ =	swait.ge [sflag:s5], $0x80  }
0x2e: {  	[sflag:s5] =	ssyncset.done $0x0  }
0x2f: {  	[sflag:s5] =	ssyncadd.s32 $0xFFFFFF80  }
0x30: {  	[tilespmem:s7], [sflag:$0x1] =	stream.indirect.gather [hbm4b:s1+s6], $0x400, s3, s6, $0xb8;
	[tilespmem:$0x10080] =	vst v63  }
0x31: {  	_ = 	snop  }
0x32: {  	[tilespmem:s8], [sflag:$0x2] =	stream.indirect.gather [hbm4b:s1+s6], $0x400, s6, s6, $0xb8;
	[tilespmem:$0x10080] =	vst v63  }
0x33: {  	_ =	swait.ge [sflag:s9], $0x8000  }
0x34: {  	[sflag:s9] =	ssyncset.done $0x0  }
0x35: {  	[sflag:s9] =	ssyncadd.s32 $0xFFFF8000  }
0x36: {  	[hbm4b:s10+s3] =	stream.linear.scatter [tilespmem:s7], [sflag:$0x3], $0x8000, $0x38;
	[tilespmem:$0x10080] =	vst v63  }
0x37: {  	_ =	swait.ge [sflag:s11], $0x8000  }
0x38: {  	[sflag:s11] =	ssyncset.done $0x0  }
0x39: {  	[sflag:s11] =	ssyncadd.s32 $0xFFFF8000  }
0x3a: {  	[hbm4b:s12+s3] =	stream.linear.scatter [tilespmem:s8], [sflag:$0x4], $0x8000, $0x38;
	[tilespmem:$0x10080] =	vst v63  }
0x3b: {  	_ =	swait.ge [sflag:s13], $0x8000  }
0x3c: {  	[sflag:s13] =	ssyncset.done $0x0  }
0x3d: {  	[sflag:s13] =	ssyncadd.s32 $0xFFFF8000  }
0x3e: {  	[tilespmem:s7], [sflag:$0x1] =	stream.indirect.gather [hbm4b:s1+s6], $0x400, s15, s6, $0xb8;
	[tilespmem:$0x10080] =	vst v63  }
0x3f: {  	_ =	swait.ge [sflag:s14], $0x8000  }
0x40: {  	[sflag:s14] =	ssyncset.done $0x0  }
0x41: {  	[sflag:s14] =	ssyncadd.s32 $0xFFFF8000  }
0x42: {  	[tilespmem:s8], [sflag:$0x2] =	stream.indirect.gather [hbm4b:s1+s6], $0x400, s16, s6, $0xb8;
	[tilespmem:$0x10080] =	vst v63  }
0x43: {  	_ =	swait.ge [sflag:s9], $0x8000  }
0x44: {  	[sflag:s9] =	ssyncset.done $0x0  }
0x45: {  	[sflag:s9] =	ssyncadd.s32 $0xFFFF8000  }
0x46: {  	[hbm4b:s17+s3] =	stream.linear.scatter [tilespmem:s7], [sflag:$0x3], $0x8000, $0x38;
	[tilespmem:$0x10080] =	vst v63  }
0x47: {  	_ =	swait.ge [sflag:s11], $0x8000  }
0x48: {  	[sflag:s11] =	ssyncset.done $0x0  }
0x49: {  	[sflag:s11] =	ssyncadd.s32 $0xFFFF8000  }
0x4a: {  	[hbm4b:s18+s3] =	stream.linear.scatter [tilespmem:s8], [sflag:$0x4], $0x8000, $0x38;
	[tilespmem:$0x10080] =	vst v63  }
.Ltmp1:
0x4b: {  	_ =	swait.ge [sflag:s13], $0x8000;
	(pc) =	sbr.rel @p0 .LBB2_1-.Ltmp1, $4  }
0x4c: {  	[sflag:s13] =	ssyncset.done $0x0  }
0x4d: {  	[sflag:s13] =	ssyncadd.s32 $0xFFFF8000  }
0x4e: {  	_ =	swait.ge [sflag:s14], $0x8000  }
0x4f: {  	[sflag:s14] =	ssyncset.done $0x0  }
.LBB2_2:
0x50: {  	[sflag:s14] =	ssyncadd.s32 $0xFFFF8000  }
0x51: {  	_ =	sfence.sel $0x180000  }
0x52: {  	[bflag:$0x0] =	sbarrier.arrive $0xFFFF  }
0x53: {  	p0 =	sne.s32 s0, $0x0;
	_ =	strace $0x90000047  }
0x54: {  	s0 =	sadd.s32 @!p0 $0x100000, s2;
	[bflag:$0x2] =	sbarrier.arrive $0xFFFF  }
0x55: {  	[sflag:s0] =	ssyncadd.tile.s32 @!p0 $0x1;
	_ =	shalt  }
.Lfunc_end2:
_tile_overlayer_lowered:
.L_overlay_start_2:
0x56: {  	(tag) =	ssettag $0x2  }
0x57: {  	s0 =	rddreg [dreg:$0x0];
	s2 =	stileid.u32  }
0x58: {  	s1 =	rddreg [dreg:$0x1];
	p0 =	sne.s32 s2, $0x0  }
0x59: {  	s3 =	rddreg [dreg:$0x2];
	[bflag:$0x3] =	sbarrier.arrive $0xFFFF;
	s2 =	simm.s32 @!p0 $0x1C05  }
0x5a: {  	[timem:s3], [sflag:s2] =	dma.local @!p0 [hbm:s0], s1  }
0x5b: {  	s0 =	simm.s32 @!p0 $0x5  }
0x5c: {  	_ =	swait.ge @!p0 [sflag:s0], s1  }
0x5d: {  	s1 =	ssub.s32 @!p0 $0x0, s1;
	[sflag:s0] =	ssyncset.done @!p0 $0x0  }
0x5e: {  	[sflag:s0] =	ssyncadd.s32 @!p0 s1  }
0x5f: {  	[bflag:$0x3] =	sbarrier.arrive $0xFFFF  }
0x60: {  	_ =	shalt  }

</sc_bundles>
